<compile_context>
chip_gen: v7x
topology: tpu7x:2x2x1
jax: 0.10.2.dev20260603
libtpu: 0.0.44.dev20260713+nightly
codegen_flags: <defaults>
</compile_context>

<pallas_src>
import jax
import jax.numpy as jnp
from jax import lax
from jax.experimental import pallas as pl
from jax.experimental.pallas import tpu as pltpu
from jax.experimental.pallas import tpu_sc as plsc

_N_BITS = 20
_MEM_SIZE = 2 ** _N_BITS
_BATCH = 16384

_NC = 1
_NS = 16
_LANES = 16
_NW = _NC * _NS
_BPW = _BATCH // _NW
_CHUNK = 128
_NCHUNK = _BPW // _CHUNK


def _tc_addr_kernel(bits_t_ref, idx_ref):
    acc = bits_t_ref[0, :]
    for j in range(1, _N_BITS):
        acc |= bits_t_ref[j, :] << j
    idx_ref[...] = acc.reshape(_BATCH // 128, 128)


def _sc_gather_kernel(idx_hbm, mem_hbm, out_hbm, idx_v, vals_v, sem):
    wid = lax.axis_index("s") * _NC + lax.axis_index("c")

    pltpu.sync_copy(idx_hbm.at[pl.ds(wid * _NCHUNK, _NCHUNK)], idx_v)

    copies = []
    for c in range(_NCHUNK):
        copies.append(
            pltpu.make_async_copy(
                mem_hbm.at[idx_v.at[c]],
                vals_v.at[pl.ds(c * _CHUNK, _CHUNK)],
                sem,
            )
        )
    for cp in copies:
        cp.start()
    for cp in copies:
        cp.wait()

    pltpu.sync_copy(vals_v, out_hbm.at[pl.ds(wid * _BPW, _BPW)])


@jax.jit
def kernel(bits, memory):
    bits_t = bits.T
    idx = pl.pallas_call(
        _tc_addr_kernel,
        out_shape=jax.ShapeDtypeStruct((_BATCH // 128, 128), jnp.int32),
        in_specs=[pl.BlockSpec(memory_space=pltpu.VMEM)],
        out_specs=pl.BlockSpec(memory_space=pltpu.VMEM),
    )(bits_t)

    mesh = plsc.VectorSubcoreMesh(
        core_axis_name="c", subcore_axis_name="s",
        num_cores=_NC, num_subcores=_NS,
    )
    out = pl.kernel(
        _sc_gather_kernel,
        out_type=jax.ShapeDtypeStruct((_BATCH,), jnp.int32),
        mesh=mesh,
        compiler_params=pltpu.CompilerParams(needs_layout_passes=False),
        scratch_types=[
            pltpu.VMEM((_NCHUNK, _CHUNK), jnp.int32),
            pltpu.VMEM((_BPW,), jnp.int32),
            pltpu.SemaphoreType.DMA,
        ],
    )(idx, memory)
    return (out & 1).astype(jnp.bool_)

# --- scband reference (transcript-rebuilt; emitter-appended) ---
"""Pipeline reference for scband-ramneuron-21818433864469 (READ-ONLY COPY).

The authoritative reference and input builder live on the scoring server;
editing this copy changes nothing except your own understanding.
"""

import jax, jax.numpy as jnp
import numpy as np

N_BITS = 20
MEM_SIZE = 2 ** N_BITS  # 1048576
BATCH = 16384


def setup_inputs(seed: int = 0) -> dict:
    key = jax.random.key(seed)
    k1, k2 = jax.random.split(key)
    # bits: [batch, n_bits] with values in {0, 1}
    bits = jax.random.randint(k1, (BATCH, N_BITS), 0, 2, dtype=jnp.int32)
    # _memory buffer: logically 0/1 values stored as integers
    memory = jax.random.randint(k2, (MEM_SIZE,), 0, 2, dtype=jnp.int32)
    return {"bits": bits, "memory": memory}


def reference(bits, memory):
    # _address_from_bits: idx = sum(bits * 2**arange(n_bits)) along last dim
    bit_weights = 2 ** jnp.arange(N_BITS, dtype=jnp.int32)
    b = bits.astype(jnp.int32)
    idx = jnp.sum(b * bit_weights, axis=-1)
    # use_hashing=False -> idx already in [0, 2**n_bits)
    # memory gather (SparseCore-friendly)
    mem = jnp.take(memory, idx, axis=0)
    # (mem & 1).to(bool)
    return (mem & 1).astype(jnp.bool_)

if __name__ == "__main__":
    import jax
    _d = setup_inputs()
    print(jax.jit(kernel)(*tuple(_d.values())))

</pallas_src>

<mosaic_0001>
#map = affine_map<(d0, d1) -> (0, 0)>
#map1 = affine_map<(d0, d1) -> (0)>
module attributes {stable_mosaic.version = 14 : i64} {
  func.func @_sc_gather_kernel(%arg0: i32, %arg1: i32, %arg2: memref<128x128xi32, #tpu.memory_space<hbm>>, %arg3: memref<1048576xi32, #tpu.memory_space<hbm>>, %arg4: memref<16384xi32, #tpu.memory_space<hbm>>, %arg5: memref<8x128xi32, #tpu.memory_space<vmem>>, %arg6: memref<1024xi32, #tpu.memory_space<vmem>>, %arg7: memref<!tpu.dma_semaphore, #tpu.memory_space<semaphore_mem>>) attributes {dimension_semantics = [#tpu.dimension_semantics<core_parallel>, #tpu.dimension_semantics<subcore_parallel>], iteration_bounds = array<i64: 1, 16>, scalar_prefetch = 0 : i64, scratch_operands = 3 : i64, tpu.core_type = #tpu.core_type<sc_vector_subcore>, window_params = [{transform_indices = #map}, {transform_indices = #map1}, {transform_indices = #map1}]} {
    %mul3A = arith.constant 1 : i32
    %mul3A_0 = arith.muli %arg1, %mul3A : i32
    %add3A = arith.addi %mul3A_0, %arg0 : i32
    %mul3A_1 = arith.constant 8 : i32
    %mul3A_2 = arith.muli %add3A, %mul3A_1 : i32
    "tpu.region"() ({
      %run_scoped3A = tpu.sem_alloc : memref<!tpu.dma_semaphore, #tpu.memory_space<semaphore_mem>>
      %dma_start3A_131 = arith.constant 0 : i32
      %dma_start3A_132 = tpu.memref_slice %arg2[%mul3A_2, %dma_start3A_131] : memref<128x128xi32, #tpu.memory_space<hbm>> -> memref<8x128xi32, #tpu.memory_space<hbm>>
      %dma_start3A_133 = arith.constant 0 : i32
      %dma_start3A_134 = tpu.memref_slice %arg2[%mul3A_2, %dma_start3A_133] : memref<128x128xi32, #tpu.memory_space<hbm>> -> memref<8x128xi32, #tpu.memory_space<hbm>>
      tpu.enqueue_dma source(%dma_start3A_134 : memref<8x128xi32, #tpu.memory_space<hbm>>) target(%arg5 : memref<8x128xi32, #tpu.memory_space<vmem>>) target_semaphore(%run_scoped3A : memref<!tpu.dma_semaphore, #tpu.memory_space<semaphore_mem>>)
      %dma_wait3A_135 = arith.constant 0 : i32
      %dma_wait3A_136 = tpu.memref_slice %arg2[%mul3A_2, %dma_wait3A_135] : memref<128x128xi32, #tpu.memory_space<hbm>> -> memref<8x128xi32, #tpu.memory_space<hbm>>
      %dma_wait3A_137 = arith.constant 0 : i32
      %dma_wait3A_138 = tpu.memref_slice %arg2[%mul3A_2, %dma_wait3A_137] : memref<128x128xi32, #tpu.memory_space<hbm>> -> memref<8x128xi32, #tpu.memory_space<hbm>>
      tpu.wait_dma2 semaphore(%run_scoped3A : memref<!tpu.dma_semaphore, #tpu.memory_space<semaphore_mem>>) src(%dma_wait3A_138 : memref<8x128xi32, #tpu.memory_space<hbm>>) dst(%arg5 : memref<8x128xi32, #tpu.memory_space<vmem>>)
      tpu.yield
    }) : () -> ()
    %dma_start3A = arith.constant 0 : i32
    %dma_start3A_3 = arith.constant 0 : i32
    %dma_start3A_4 = tpu.memref_slice %arg6[%dma_start3A_3] : memref<1024xi32, #tpu.memory_space<vmem>> -> memref<128xi32, #tpu.memory_space<vmem>>
    %dma_start3A_5 = arith.constant 0 : i32
    %dma_start3A_6 = tpu.memref_slice %arg5[%dma_start3A, %dma_start3A_5] : memref<8x128xi32, #tpu.memory_space<vmem>> -> memref<1x128xi32, #tpu.memory_space<vmem>>
    %dma_start3A_7 = tpu.memref_squeeze %dma_start3A_6 : memref<1x128xi32, #tpu.memory_space<vmem>> -> memref<128xi32, #tpu.memory_space<vmem>>
    %dma_start3A_8 = arith.constant 0 : i32
    %dma_start3A_9 = tpu.memref_slice %arg3[%dma_start3A_8] : memref<1048576xi32, #tpu.memory_space<hbm>> -> memref<1048576xi32, #tpu.memory_space<hbm>>
    tpu.enqueue_indirect_dma source(%dma_start3A_9 : memref<1048576xi32, #tpu.memory_space<hbm>>) target(%dma_start3A_4 : memref<128xi32, #tpu.memory_space<vmem>>) offsets(%dma_start3A_7 : memref<128xi32, #tpu.memory_space<vmem>>) semaphore(%arg7 : memref<!tpu.dma_semaphore, #tpu.memory_space<semaphore_mem>>)
    %dma_start3A_10 = arith.constant 1 : i32
    %dma_start3A_11 = arith.constant 128 : i32
    %dma_start3A_12 = tpu.memref_slice %arg6[%dma_start3A_11] : memref<1024xi32, #tpu.memory_space<vmem>> -> memref<128xi32, #tpu.memory_space<vmem>>
    %dma_start3A_13 = arith.constant 0 : i32
    %dma_start3A_14 = tpu.memref_slice %arg5[%dma_start3A_10, %dma_start3A_13] : memref<8x128xi32, #tpu.memory_space<vmem>> -> memref<1x128xi32, #tpu.memory_space<vmem>>
    %dma_start3A_15 = tpu.memref_squeeze %dma_start3A_14 : memref<1x128xi32, #tpu.memory_space<vmem>> -> memref<128xi32, #tpu.memory_space<vmem>>
    %dma_start3A_16 = arith.constant 0 : i32
    %dma_start3A_17 = tpu.memref_slice %arg3[%dma_start3A_16] : memref<1048576xi32, #tpu.memory_space<hbm>> -> memref<1048576xi32, #tpu.memory_space<hbm>>
    tpu.enqueue_indirect_dma source(%dma_start3A_17 : memref<1048576xi32, #tpu.memory_space<hbm>>) target(%dma_start3A_12 : memref<128xi32, #tpu.memory_space<vmem>>) offsets(%dma_start3A_15 : memref<128xi32, #tpu.memory_space<vmem>>) semaphore(%arg7 : memref<!tpu.dma_semaphore, #tpu.memory_space<semaphore_mem>>)
    %dma_start3A_18 = arith.constant 2 : i32
    %dma_start3A_19 = arith.constant 256 : i32
    %dma_start3A_20 = tpu.memref_slice %arg6[%dma_start3A_19] : memref<1024xi32, #tpu.memory_space<vmem>> -> memref<128xi32, #tpu.memory_space<vmem>>
    %dma_start3A_21 = arith.constant 0 : i32
    %dma_start3A_22 = tpu.memref_slice %arg5[%dma_start3A_18, %dma_start3A_21] : memref<8x128xi32, #tpu.memory_space<vmem>> -> memref<1x128xi32, #tpu.memory_space<vmem>>
    %dma_start3A_23 = tpu.memref_squeeze %dma_start3A_22 : memref<1x128xi32, #tpu.memory_space<vmem>> -> memref<128xi32, #tpu.memory_space<vmem>>
    %dma_start3A_24 = arith.constant 0 : i32
    %dma_start3A_25 = tpu.memref_slice %arg3[%dma_start3A_24] : memref<1048576xi32, #tpu.memory_space<hbm>> -> memref<1048576xi32, #tpu.memory_space<hbm>>
    tpu.enqueue_indirect_dma source(%dma_start3A_25 : memref<1048576xi32, #tpu.memory_space<hbm>>) target(%dma_start3A_20 : memref<128xi32, #tpu.memory_space<vmem>>) offsets(%dma_start3A_23 : memref<128xi32, #tpu.memory_space<vmem>>) semaphore(%arg7 : memref<!tpu.dma_semaphore, #tpu.memory_space<semaphore_mem>>)
    %dma_start3A_26 = arith.constant 3 : i32
    %dma_start3A_27 = arith.constant 384 : i32
    %dma_start3A_28 = tpu.memref_slice %arg6[%dma_start3A_27] : memref<1024xi32, #tpu.memory_space<vmem>> -> memref<128xi32, #tpu.memory_space<vmem>>
    %dma_start3A_29 = arith.constant 0 : i32
    %dma_start3A_30 = tpu.memref_slice %arg5[%dma_start3A_26, %dma_start3A_29] : memref<8x128xi32, #tpu.memory_space<vmem>> -> memref<1x128xi32, #tpu.memory_space<vmem>>
    %dma_start3A_31 = tpu.memref_squeeze %dma_start3A_30 : memref<1x128xi32, #tpu.memory_space<vmem>> -> memref<128xi32, #tpu.memory_space<vmem>>
    %dma_start3A_32 = arith.constant 0 : i32
    %dma_start3A_33 = tpu.memref_slice %arg3[%dma_start3A_32] : memref<1048576xi32, #tpu.memory_space<hbm>> -> memref<1048576xi32, #tpu.memory_space<hbm>>
    tpu.enqueue_indirect_dma source(%dma_start3A_33 : memref<1048576xi32, #tpu.memory_space<hbm>>) target(%dma_start3A_28 : memref<128xi32, #tpu.memory_space<vmem>>) offsets(%dma_start3A_31 : memref<128xi32, #tpu.memory_space<vmem>>) semaphore(%arg7 : memref<!tpu.dma_semaphore, #tpu.memory_space<semaphore_mem>>)
    %dma_start3A_34 = arith.constant 4 : i32
    %dma_start3A_35 = arith.constant 512 : i32
    %dma_start3A_36 = tpu.memref_slice %arg6[%dma_start3A_35] : memref<1024xi32, #tpu.memory_space<vmem>> -> memref<128xi32, #tpu.memory_space<vmem>>
    %dma_start3A_37 = arith.constant 0 : i32
    %dma_start3A_38 = tpu.memref_slice %arg5[%dma_start3A_34, %dma_start3A_37] : memref<8x128xi32, #tpu.memory_space<vmem>> -> memref<1x128xi32, #tpu.memory_space<vmem>>
    %dma_start3A_39 = tpu.memref_squeeze %dma_start3A_38 : memref<1x128xi32, #tpu.memory_space<vmem>> -> memref<128xi32, #tpu.memory_space<vmem>>
    %dma_start3A_40 = arith.constant 0 : i32
    %dma_start3A_41 = tpu.memref_slice %arg3[%dma_start3A_40] : memref<1048576xi32, #tpu.memory_space<hbm>> -> memref<1048576xi32, #tpu.memory_space<hbm>>
    tpu.enqueue_indirect_dma source(%dma_start3A_41 : memref<1048576xi32, #tpu.memory_space<hbm>>) target(%dma_start3A_36 : memref<128xi32, #tpu.memory_space<vmem>>) offsets(%dma_start3A_39 : memref<128xi32, #tpu.memory_space<vmem>>) semaphore(%arg7 : memref<!tpu.dma_semaphore, #tpu.memory_space<semaphore_mem>>)
    %dma_start3A_42 = arith.constant 5 : i32
    %dma_start3A_43 = arith.constant 640 : i32
    %dma_start3A_44 = tpu.memref_slice %arg6[%dma_start3A_43] : memref<1024xi32, #tpu.memory_space<vmem>> -> memref<128xi32, #tpu.memory_space<vmem>>
    %dma_start3A_45 = arith.constant 0 : i32
    %dma_start3A_46 = tpu.memref_slice %arg5[%dma_start3A_42, %dma_start3A_45] : memref<8x128xi32, #tpu.memory_space<vmem>> -> memref<1x128xi32, #tpu.memory_space<vmem>>
    %dma_start3A_47 = tpu.memref_squeeze %dma_start3A_46 : memref<1x128xi32, #tpu.memory_space<vmem>> -> memref<128xi32, #tpu.memory_space<vmem>>
    %dma_start3A_48 = arith.constant 0 : i32
    %dma_start3A_49 = tpu.memref_slice %arg3[%dma_start3A_48] : memref<1048576xi32, #tpu.memory_space<hbm>> -> memref<1048576xi32, #tpu.memory_space<hbm>>
    tpu.enqueue_indirect_dma source(%dma_start3A_49 : memref<1048576xi32, #tpu.memory_space<hbm>>) target(%dma_start3A_44 : memref<128xi32, #tpu.memory_space<vmem>>) offsets(%dma_start3A_47 : memref<128xi32, #tpu.memory_space<vmem>>) semaphore(%arg7 : memref<!tpu.dma_semaphore, #tpu.memory_space<semaphore_mem>>)
    %dma_start3A_50 = arith.constant 6 : i32
    %dma_start3A_51 = arith.constant 768 : i32
    %dma_start3A_52 = tpu.memref_slice %arg6[%dma_start3A_51] : memref<1024xi32, #tpu.memory_space<vmem>> -> memref<128xi32, #tpu.memory_space<vmem>>
    %dma_start3A_53 = arith.constant 0 : i32
    %dma_start3A_54 = tpu.memref_slice %arg5[%dma_start3A_50, %dma_start3A_53] : memref<8x128xi32, #tpu.memory_space<vmem>> -> memref<1x128xi32, #tpu.memory_space<vmem>>
    %dma_start3A_55 = tpu.memref_squeeze %dma_start3A_54 : memref<1x128xi32, #tpu.memory_space<vmem>> -> memref<128xi32, #tpu.memory_space<vmem>>
    %dma_start3A_56 = arith.constant 0 : i32
    %dma_start3A_57 = tpu.memref_slice %arg3[%dma_start3A_56] : memref<1048576xi32, #tpu.memory_space<hbm>> -> memref<1048576xi32, #tpu.memory_space<hbm>>
    tpu.enqueue_indirect_dma source(%dma_start3A_57 : memref<1048576xi32, #tpu.memory_space<hbm>>) target(%dma_start3A_52 : memref<128xi32, #tpu.memory_space<vmem>>) offsets(%dma_start3A_55 : memref<128xi32, #tpu.memory_space<vmem>>) semaphore(%arg7 : memref<!tpu.dma_semaphore, #tpu.memory_space<semaphore_mem>>)
    %dma_start3A_58 = arith.constant 7 : i32
    %dma_start3A_59 = arith.constant 896 : i32
    %dma_start3A_60 = tpu.memref_slice %arg6[%dma_start3A_59] : memref<1024xi32, #tpu.memory_space<vmem>> -> memref<128xi32, #tpu.memory_space<vmem>>
    %dma_start3A_61 = arith.constant 0 : i32
    %dma_start3A_62 = tpu.memref_slice %arg5[%dma_start3A_58, %dma_start3A_61] : memref<8x128xi32, #tpu.memory_space<vmem>> -> memref<1x128xi32, #tpu.memory_space<vmem>>
    %dma_start3A_63 = tpu.memref_squeeze %dma_start3A_62 : memref<1x128xi32, #tpu.memory_space<vmem>> -> memref<128xi32, #tpu.memory_space<vmem>>
    %dma_start3A_64 = arith.constant 0 : i32
    %dma_start3A_65 = tpu.memref_slice %arg3[%dma_start3A_64] : memref<1048576xi32, #tpu.memory_space<hbm>> -> memref<1048576xi32, #tpu.memory_space<hbm>>
    tpu.enqueue_indirect_dma source(%dma_start3A_65 : memref<1048576xi32, #tpu.memory_space<hbm>>) target(%dma_start3A_60 : memref<128xi32, #tpu.memory_space<vmem>>) offsets(%dma_start3A_63 : memref<128xi32, #tpu.memory_space<vmem>>) semaphore(%arg7 : memref<!tpu.dma_semaphore, #tpu.memory_space<semaphore_mem>>)
    %dma_wait3A = arith.constant 0 : i32
    %dma_wait3A_66 = arith.constant 0 : i32
    %dma_wait3A_67 = tpu.memref_slice %arg6[%dma_wait3A_66] : memref<1024xi32, #tpu.memory_space<vmem>> -> memref<128xi32, #tpu.memory_space<vmem>>
    %dma_wait3A_68 = arith.constant 0 : i32
    %dma_wait3A_69 = tpu.memref_slice %arg5[%dma_wait3A, %dma_wait3A_68] : memref<8x128xi32, #tpu.memory_space<vmem>> -> memref<1x128xi32, #tpu.memory_space<vmem>>
    %dma_wait3A_70 = tpu.memref_squeeze %dma_wait3A_69 : memref<1x128xi32, #tpu.memory_space<vmem>> -> memref<128xi32, #tpu.memory_space<vmem>>
    %dma_wait3A_71 = arith.constant 0 : i32
    %dma_wait3A_72 = tpu.memref_slice %arg3[%dma_wait3A_71] : memref<1048576xi32, #tpu.memory_space<hbm>> -> memref<1048576xi32, #tpu.memory_space<hbm>>
    tpu.wait_indirect_dma semaphore(%arg7 : memref<!tpu.dma_semaphore, #tpu.memory_space<semaphore_mem>>) src(%dma_wait3A_72 : memref<1048576xi32, #tpu.memory_space<hbm>>) dst(%dma_wait3A_67 : memref<128xi32, #tpu.memory_space<vmem>>)
    %dma_wait3A_73 = arith.constant 1 : i32
    %dma_wait3A_74 = arith.constant 128 : i32
    %dma_wait3A_75 = tpu.memref_slice %arg6[%dma_wait3A_74] : memref<1024xi32, #tpu.memory_space<vmem>> -> memref<128xi32, #tpu.memory_space<vmem>>
    %dma_wait3A_76 = arith.constant 0 : i32
    %dma_wait3A_77 = tpu.memref_slice %arg5[%dma_wait3A_73, %dma_wait3A_76] : memref<8x128xi32, #tpu.memory_space<vmem>> -> memref<1x128xi32, #tpu.memory_space<vmem>>
    %dma_wait3A_78 = tpu.memref_squeeze %dma_wait3A_77 : memref<1x128xi32, #tpu.memory_space<vmem>> -> memref<128xi32, #tpu.memory_space<vmem>>
    %dma_wait3A_79 = arith.constant 0 : i32
    %dma_wait3A_80 = tpu.memref_slice %arg3[%dma_wait3A_79] : memref<1048576xi32, #tpu.memory_space<hbm>> -> memref<1048576xi32, #tpu.memory_space<hbm>>
    tpu.wait_indirect_dma semaphore(%arg7 : memref<!tpu.dma_semaphore, #tpu.memory_space<semaphore_mem>>) src(%dma_wait3A_80 : memref<1048576xi32, #tpu.memory_space<hbm>>) dst(%dma_wait3A_75 : memref<128xi32, #tpu.memory_space<vmem>>)
    %dma_wait3A_81 = arith.constant 2 : i32
    %dma_wait3A_82 = arith.constant 256 : i32
    %dma_wait3A_83 = tpu.memref_slice %arg6[%dma_wait3A_82] : memref<1024xi32, #tpu.memory_space<vmem>> -> memref<128xi32, #tpu.memory_space<vmem>>
    %dma_wait3A_84 = arith.constant 0 : i32
    %dma_wait3A_85 = tpu.memref_slice %arg5[%dma_wait3A_81, %dma_wait3A_84] : memref<8x128xi32, #tpu.memory_space<vmem>> -> memref<1x128xi32, #tpu.memory_space<vmem>>
    %dma_wait3A_86 = tpu.memref_squeeze %dma_wait3A_85 : memref<1x128xi32, #tpu.memory_space<vmem>> -> memref<128xi32, #tpu.memory_space<vmem>>
    %dma_wait3A_87 = arith.constant 0 : i32
    %dma_wait3A_88 = tpu.memref_slice %arg3[%dma_wait3A_87] : memref<1048576xi32, #tpu.memory_space<hbm>> -> memref<1048576xi32, #tpu.memory_space<hbm>>
    tpu.wait_indirect_dma semaphore(%arg7 : memref<!tpu.dma_semaphore, #tpu.memory_space<semaphore_mem>>) src(%dma_wait3A_88 : memref<1048576xi32, #tpu.memory_space<hbm>>) dst(%dma_wait3A_83 : memref<128xi32, #tpu.memory_space<vmem>>)
    %dma_wait3A_89 = arith.constant 3 : i32
    %dma_wait3A_90 = arith.constant 384 : i32
    %dma_wait3A_91 = tpu.memref_slice %arg6[%dma_wait3A_90] : memref<1024xi32, #tpu.memory_space<vmem>> -> memref<128xi32, #tpu.memory_space<vmem>>
    %dma_wait3A_92 = arith.constant 0 : i32
    %dma_wait3A_93 = tpu.memref_slice %arg5[%dma_wait3A_89, %dma_wait3A_92] : memref<8x128xi32, #tpu.memory_space<vmem>> -> memref<1x128xi32, #tpu.memory_space<vmem>>
    %dma_wait3A_94 = tpu.memref_squeeze %dma_wait3A_93 : memref<1x128xi32, #tpu.memory_space<vmem>> -> memref<128xi32, #tpu.memory_space<vmem>>
    %dma_wait3A_95 = arith.constant 0 : i32
    %dma_wait3A_96 = tpu.memref_slice %arg3[%dma_wait3A_95] : memref<1048576xi32, #tpu.memory_space<hbm>> -> memref<1048576xi32, #tpu.memory_space<hbm>>
    tpu.wait_indirect_dma semaphore(%arg7 : memref<!tpu.dma_semaphore, #tpu.memory_space<semaphore_mem>>) src(%dma_wait3A_96 : memref<1048576xi32, #tpu.memory_space<hbm>>) dst(%dma_wait3A_91 : memref<128xi32, #tpu.memory_space<vmem>>)
    %dma_wait3A_97 = arith.constant 4 : i32
    %dma_wait3A_98 = arith.constant 512 : i32
    %dma_wait3A_99 = tpu.memref_slice %arg6[%dma_wait3A_98] : memref<1024xi32, #tpu.memory_space<vmem>> -> memref<128xi32, #tpu.memory_space<vmem>>
    %dma_wait3A_100 = arith.constant 0 : i32
    %dma_wait3A_101 = tpu.memref_slice %arg5[%dma_wait3A_97, %dma_wait3A_100] : memref<8x128xi32, #tpu.memory_space<vmem>> -> memref<1x128xi32, #tpu.memory_space<vmem>>
    %dma_wait3A_102 = tpu.memref_squeeze %dma_wait3A_101 : memref<1x128xi32, #tpu.memory_space<vmem>> -> memref<128xi32, #tpu.memory_space<vmem>>
    %dma_wait3A_103 = arith.constant 0 : i32
    %dma_wait3A_104 = tpu.memref_slice %arg3[%dma_wait3A_103] : memref<1048576xi32, #tpu.memory_space<hbm>> -> memref<1048576xi32, #tpu.memory_space<hbm>>
    tpu.wait_indirect_dma semaphore(%arg7 : memref<!tpu.dma_semaphore, #tpu.memory_space<semaphore_mem>>) src(%dma_wait3A_104 : memref<1048576xi32, #tpu.memory_space<hbm>>) dst(%dma_wait3A_99 : memref<128xi32, #tpu.memory_space<vmem>>)
    %dma_wait3A_105 = arith.constant 5 : i32
    %dma_wait3A_106 = arith.constant 640 : i32
    %dma_wait3A_107 = tpu.memref_slice %arg6[%dma_wait3A_106] : memref<1024xi32, #tpu.memory_space<vmem>> -> memref<128xi32, #tpu.memory_space<vmem>>
    %dma_wait3A_108 = arith.constant 0 : i32
    %dma_wait3A_109 = tpu.memref_slice %arg5[%dma_wait3A_105, %dma_wait3A_108] : memref<8x128xi32, #tpu.memory_space<vmem>> -> memref<1x128xi32, #tpu.memory_space<vmem>>
    %dma_wait3A_110 = tpu.memref_squeeze %dma_wait3A_109 : memref<1x128xi32, #tpu.memory_space<vmem>> -> memref<128xi32, #tpu.memory_space<vmem>>
    %dma_wait3A_111 = arith.constant 0 : i32
    %dma_wait3A_112 = tpu.memref_slice %arg3[%dma_wait3A_111] : memref<1048576xi32, #tpu.memory_space<hbm>> -> memref<1048576xi32, #tpu.memory_space<hbm>>
    tpu.wait_indirect_dma semaphore(%arg7 : memref<!tpu.dma_semaphore, #tpu.memory_space<semaphore_mem>>) src(%dma_wait3A_112 : memref<1048576xi32, #tpu.memory_space<hbm>>) dst(%dma_wait3A_107 : memref<128xi32, #tpu.memory_space<vmem>>)
    %dma_wait3A_113 = arith.constant 6 : i32
    %dma_wait3A_114 = arith.constant 768 : i32
    %dma_wait3A_115 = tpu.memref_slice %arg6[%dma_wait3A_114] : memref<1024xi32, #tpu.memory_space<vmem>> -> memref<128xi32, #tpu.memory_space<vmem>>
    %dma_wait3A_116 = arith.constant 0 : i32
    %dma_wait3A_117 = tpu.memref_slice %arg5[%dma_wait3A_113, %dma_wait3A_116] : memref<8x128xi32, #tpu.memory_space<vmem>> -> memref<1x128xi32, #tpu.memory_space<vmem>>
    %dma_wait3A_118 = tpu.memref_squeeze %dma_wait3A_117 : memref<1x128xi32, #tpu.memory_space<vmem>> -> memref<128xi32, #tpu.memory_space<vmem>>
    %dma_wait3A_119 = arith.constant 0 : i32
    %dma_wait3A_120 = tpu.memref_slice %arg3[%dma_wait3A_119] : memref<1048576xi32, #tpu.memory_space<hbm>> -> memref<1048576xi32, #tpu.memory_space<hbm>>
    tpu.wait_indirect_dma semaphore(%arg7 : memref<!tpu.dma_semaphore, #tpu.memory_space<semaphore_mem>>) src(%dma_wait3A_120 : memref<1048576xi32, #tpu.memory_space<hbm>>) dst(%dma_wait3A_115 : memref<128xi32, #tpu.memory_space<vmem>>)
    %dma_wait3A_121 = arith.constant 7 : i32
    %dma_wait3A_122 = arith.constant 896 : i32
    %dma_wait3A_123 = tpu.memref_slice %arg6[%dma_wait3A_122] : memref<1024xi32, #tpu.memory_space<vmem>> -> memref<128xi32, #tpu.memory_space<vmem>>
    %dma_wait3A_124 = arith.constant 0 : i32
    %dma_wait3A_125 = tpu.memref_slice %arg5[%dma_wait3A_121, %dma_wait3A_124] : memref<8x128xi32, #tpu.memory_space<vmem>> -> memref<1x128xi32, #tpu.memory_space<vmem>>
    %dma_wait3A_126 = tpu.memref_squeeze %dma_wait3A_125 : memref<1x128xi32, #tpu.memory_space<vmem>> -> memref<128xi32, #tpu.memory_space<vmem>>
    %dma_wait3A_127 = arith.constant 0 : i32
    %dma_wait3A_128 = tpu.memref_slice %arg3[%dma_wait3A_127] : memref<1048576xi32, #tpu.memory_space<hbm>> -> memref<1048576xi32, #tpu.memory_space<hbm>>
    tpu.wait_indirect_dma semaphore(%arg7 : memref<!tpu.dma_semaphore, #tpu.memory_space<semaphore_mem>>) src(%dma_wait3A_128 : memref<1048576xi32, #tpu.memory_space<hbm>>) dst(%dma_wait3A_123 : memref<128xi32, #tpu.memory_space<vmem>>)
    %mul3A_129 = arith.constant 1024 : i32
    %mul3A_130 = arith.muli %add3A, %mul3A_129 : i32
    "tpu.region"() ({
      %run_scoped3A = tpu.sem_alloc : memref<!tpu.dma_semaphore, #tpu.memory_space<semaphore_mem>>
      %dma_start3A_131 = tpu.memref_slice %arg4[%mul3A_130] : memref<16384xi32, #tpu.memory_space<hbm>> -> memref<1024xi32, #tpu.memory_space<hbm>>
      %dma_start3A_132 = tpu.memref_slice %arg4[%mul3A_130] : memref<16384xi32, #tpu.memory_space<hbm>> -> memref<1024xi32, #tpu.memory_space<hbm>>
      tpu.enqueue_dma source(%arg6 : memref<1024xi32, #tpu.memory_space<vmem>>) target(%dma_start3A_132 : memref<1024xi32, #tpu.memory_space<hbm>>) target_semaphore(%run_scoped3A : memref<!tpu.dma_semaphore, #tpu.memory_space<semaphore_mem>>)
      %dma_wait3A_133 = tpu.memref_slice %arg4[%mul3A_130] : memref<16384xi32, #tpu.memory_space<hbm>> -> memref<1024xi32, #tpu.memory_space<hbm>>
      %dma_wait3A_134 = tpu.memref_slice %arg4[%mul3A_130] : memref<16384xi32, #tpu.memory_space<hbm>> -> memref<1024xi32, #tpu.memory_space<hbm>>
      tpu.wait_dma2 semaphore(%run_scoped3A : memref<!tpu.dma_semaphore, #tpu.memory_space<semaphore_mem>>) src(%arg6 : memref<1024xi32, #tpu.memory_space<vmem>>) dst(%dma_wait3A_134 : memref<1024xi32, #tpu.memory_space<hbm>>)
      tpu.yield
    }) : () -> ()
    return
  }
}

module attributes {stable_mosaic.version = 14 : i64} {
  func.func @_tc_addr_kernel(%arg0: memref<20x16384xi32, #tpu.memory_space<vmem>>, %arg1: memref<128x128xi32, #tpu.memory_space<vmem>>) attributes {dimension_semantics = [], scalar_prefetch = 0 : i64, scratch_operands = 0 : i64, tpu.core_type = #tpu.core_type<tc>} {
    %get3A = arith.constant 0 : index
    %get3A_0 = arith.constant 0 : index
    %get3A_1 = vector.load %arg0[%get3A, %get3A_0] : memref<20x16384xi32, #tpu.memory_space<vmem>>, vector<1x16384xi32>
    %get3A_2 = vector.shape_cast %get3A_1 : vector<1x16384xi32> to vector<16384xi32>
    %get3A_3 = arith.constant 1 : index
    %get3A_4 = arith.constant 0 : index
    %get3A_5 = vector.load %arg0[%get3A_3, %get3A_4] : memref<20x16384xi32, #tpu.memory_space<vmem>>, vector<1x16384xi32>
    %get3A_6 = vector.shape_cast %get3A_5 : vector<1x16384xi32> to vector<16384xi32>
    %shift_left3A = arith.constant 1 : i32
    %shift_left3A_7 = vector.broadcast %shift_left3A : i32 to vector<16384xi32>
    %shift_left3A_8 = arith.shli %get3A_6, %shift_left3A_7 : vector<16384xi32>
    %or3A = arith.ori %get3A_2, %shift_left3A_8 : vector<16384xi32>
    %get3A_9 = arith.constant 2 : index
    %get3A_10 = arith.constant 0 : index
    %get3A_11 = vector.load %arg0[%get3A_9, %get3A_10] : memref<20x16384xi32, #tpu.memory_space<vmem>>, vector<1x16384xi32>
    %get3A_12 = vector.shape_cast %get3A_11 : vector<1x16384xi32> to vector<16384xi32>
    %shift_left3A_13 = arith.constant 2 : i32
    %shift_left3A_14 = vector.broadcast %shift_left3A_13 : i32 to vector<16384xi32>
    %shift_left3A_15 = arith.shli %get3A_12, %shift_left3A_14 : vector<16384xi32>
    %or3A_16 = arith.ori %or3A, %shift_left3A_15 : vector<16384xi32>
    %get3A_17 = arith.constant 3 : index
    %get3A_18 = arith.constant 0 : index
    %get3A_19 = vector.load %arg0[%get3A_17, %get3A_18] : memref<20x16384xi32, #tpu.memory_space<vmem>>, vector<1x16384xi32>
    %get3A_20 = vector.shape_cast %get3A_19 : vector<1x16384xi32> to vector<16384xi32>
    %shift_left3A_21 = arith.constant 3 : i32
    %shift_left3A_22 = vector.broadcast %shift_left3A_21 : i32 to vector<16384xi32>
    %shift_left3A_23 = arith.shli %get3A_20, %shift_left3A_22 : vector<16384xi32>
    %or3A_24 = arith.ori %or3A_16, %shift_left3A_23 : vector<16384xi32>
    %get3A_25 = arith.constant 4 : index
    %get3A_26 = arith.constant 0 : index
    %get3A_27 = vector.load %arg0[%get3A_25, %get3A_26] : memref<20x16384xi32, #tpu.memory_space<vmem>>, vector<1x16384xi32>
    %get3A_28 = vector.shape_cast %get3A_27 : vector<1x16384xi32> to vector<16384xi32>
    %shift_left3A_29 = arith.constant 4 : i32
    %shift_left3A_30 = vector.broadcast %shift_left3A_29 : i32 to vector<16384xi32>
    %shift_left3A_31 = arith.shli %get3A_28, %shift_left3A_30 : vector<16384xi32>
    %or3A_32 = arith.ori %or3A_24, %shift_left3A_31 : vector<16384xi32>
    %get3A_33 = arith.constant 5 : index
    %get3A_34 = arith.constant 0 : index
    %get3A_35 = vector.load %arg0[%get3A_33, %get3A_34] : memref<20x16384xi32, #tpu.memory_space<vmem>>, vector<1x16384xi32>
    %get3A_36 = vector.shape_cast %get3A_35 : vector<1x16384xi32> to vector<16384xi32>
    %shift_left3A_37 = arith.constant 5 : i32
    %shift_left3A_38 = vector.broadcast %shift_left3A_37 : i32 to vector<16384xi32>
    %shift_left3A_39 = arith.shli %get3A_36, %shift_left3A_38 : vector<16384xi32>
    %or3A_40 = arith.ori %or3A_32, %shift_left3A_39 : vector<16384xi32>
    %get3A_41 = arith.constant 6 : index
    %get3A_42 = arith.constant 0 : index
    %get3A_43 = vector.load %arg0[%get3A_41, %get3A_42] : memref<20x16384xi32, #tpu.memory_space<vmem>>, vector<1x16384xi32>
    %get3A_44 = vector.shape_cast %get3A_43 : vector<1x16384xi32> to vector<16384xi32>
    %shift_left3A_45 = arith.constant 6 : i32
    %shift_left3A_46 = vector.broadcast %shift_left3A_45 : i32 to vector<16384xi32>
    %shift_left3A_47 = arith.shli %get3A_44, %shift_left3A_46 : vector<16384xi32>
    %or3A_48 = arith.ori %or3A_40, %shift_left3A_47 : vector<16384xi32>
    %get3A_49 = arith.constant 7 : index
    %get3A_50 = arith.constant 0 : index
    %get3A_51 = vector.load %arg0[%get3A_49, %get3A_50] : memref<20x16384xi32, #tpu.memory_space<vmem>>, vector<1x16384xi32>
    %get3A_52 = vector.shape_cast %get3A_51 : vector<1x16384xi32> to vector<16384xi32>
    %shift_left3A_53 = arith.constant 7 : i32
    %shift_left3A_54 = vector.broadcast %shift_left3A_53 : i32 to vector<16384xi32>
    %shift_left3A_55 = arith.shli %get3A_52, %shift_left3A_54 : vector<16384xi32>
    %or3A_56 = arith.ori %or3A_48, %shift_left3A_55 : vector<16384xi32>
    %get3A_57 = arith.constant 8 : index
    %get3A_58 = arith.constant 0 : index
    %get3A_59 = vector.load %arg0[%get3A_57, %get3A_58] : memref<20x16384xi32, #tpu.memory_space<vmem>>, vector<1x16384xi32>
    %get3A_60 = vector.shape_cast %get3A_59 : vector<1x16384xi32> to vector<16384xi32>
    %shift_left3A_61 = arith.constant 8 : i32
    %shift_left3A_62 = vector.broadcast %shift_left3A_61 : i32 to vector<16384xi32>
    %shift_left3A_63 = arith.shli %get3A_60, %shift_left3A_62 : vector<16384xi32>
    %or3A_64 = arith.ori %or3A_56, %shift_left3A_63 : vector<16384xi32>
    %get3A_65 = arith.constant 9 : index
    %get3A_66 = arith.constant 0 : index
    %get3A_67 = vector.load %arg0[%get3A_65, %get3A_66] : memref<20x16384xi32, #tpu.memory_space<vmem>>, vector<1x16384xi32>
    %get3A_68 = vector.shape_cast %get3A_67 : vector<1x16384xi32> to vector<16384xi32>
    %shift_left3A_69 = arith.constant 9 : i32
    %shift_left3A_70 = vector.broadcast %shift_left3A_69 : i32 to vector<16384xi32>
    %shift_left3A_71 = arith.shli %get3A_68, %shift_left3A_70 : vector<16384xi32>
    %or3A_72 = arith.ori %or3A_64, %shift_left3A_71 : vector<16384xi32>
    %get3A_73 = arith.constant 10 : index
    %get3A_74 = arith.constant 0 : index
    %get3A_75 = vector.load %arg0[%get3A_73, %get3A_74] : memref<20x16384xi32, #tpu.memory_space<vmem>>, vector<1x16384xi32>
    %get3A_76 = vector.shape_cast %get3A_75 : vector<1x16384xi32> to vector<16384xi32>
    %shift_left3A_77 = arith.constant 10 : i32
    %shift_left3A_78 = vector.broadcast %shift_left3A_77 : i32 to vector<16384xi32>
    %shift_left3A_79 = arith.shli %get3A_76, %shift_left3A_78 : vector<16384xi32>
    %or3A_80 = arith.ori %or3A_72, %shift_left3A_79 : vector<16384xi32>
    %get3A_81 = arith.constant 11 : index
    %get3A_82 = arith.constant 0 : index
    %get3A_83 = vector.load %arg0[%get3A_81, %get3A_82] : memref<20x16384xi32, #tpu.memory_space<vmem>>, vector<1x16384xi32>
    %get3A_84 = vector.shape_cast %get3A_83 : vector<1x16384xi32> to vector<16384xi32>
    %shift_left3A_85 = arith.constant 11 : i32
    %shift_left3A_86 = vector.broadcast %shift_left3A_85 : i32 to vector<16384xi32>
    %shift_left3A_87 = arith.shli %get3A_84, %shift_left3A_86 : vector<16384xi32>
    %or3A_88 = arith.ori %or3A_80, %shift_left3A_87 : vector<16384xi32>
    %get3A_89 = arith.constant 12 : index
    %get3A_90 = arith.constant 0 : index
    %get3A_91 = vector.load %arg0[%get3A_89, %get3A_90] : memref<20x16384xi32, #tpu.memory_space<vmem>>, vector<1x16384xi32>
    %get3A_92 = vector.shape_cast %get3A_91 : vector<1x16384xi32> to vector<16384xi32>
    %shift_left3A_93 = arith.constant 12 : i32
    %shift_left3A_94 = vector.broadcast %shift_left3A_93 : i32 to vector<16384xi32>
    %shift_left3A_95 = arith.shli %get3A_92, %shift_left3A_94 : vector<16384xi32>
    %or3A_96 = arith.ori %or3A_88, %shift_left3A_95 : vector<16384xi32>
    %get3A_97 = arith.constant 13 : index
    %get3A_98 = arith.constant 0 : index
    %get3A_99 = vector.load %arg0[%get3A_97, %get3A_98] : memref<20x16384xi32, #tpu.memory_space<vmem>>, vector<1x16384xi32>
    %get3A_100 = vector.shape_cast %get3A_99 : vector<1x16384xi32> to vector<16384xi32>
    %shift_left3A_101 = arith.constant 13 : i32
    %shift_left3A_102 = vector.broadcast %shift_left3A_101 : i32 to vector<16384xi32>
    %shift_left3A_103 = arith.shli %get3A_100, %shift_left3A_102 : vector<16384xi32>
    %or3A_104 = arith.ori %or3A_96, %shift_left3A_103 : vector<16384xi32>
    %get3A_105 = arith.constant 14 : index
    %get3A_106 = arith.constant 0 : index
    %get3A_107 = vector.load %arg0[%get3A_105, %get3A_106] : memref<20x16384xi32, #tpu.memory_space<vmem>>, vector<1x16384xi32>
    %get3A_108 = vector.shape_cast %get3A_107 : vector<1x16384xi32> to vector<16384xi32>
    %shift_left3A_109 = arith.constant 14 : i32
    %shift_left3A_110 = vector.broadcast %shift_left3A_109 : i32 to vector<16384xi32>
    %shift_left3A_111 = arith.shli %get3A_108, %shift_left3A_110 : vector<16384xi32>
    %or3A_112 = arith.ori %or3A_104, %shift_left3A_111 : vector<16384xi32>
    %get3A_113 = arith.constant 15 : index
    %get3A_114 = arith.constant 0 : index
    %get3A_115 = vector.load %arg0[%get3A_113, %get3A_114] : memref<20x16384xi32, #tpu.memory_space<vmem>>, vector<1x16384xi32>
    %get3A_116 = vector.shape_cast %get3A_115 : vector<1x16384xi32> to vector<16384xi32>
    %shift_left3A_117 = arith.constant 15 : i32
    %shift_left3A_118 = vector.broadcast %shift_left3A_117 : i32 to vector<16384xi32>
    %shift_left3A_119 = arith.shli %get3A_116, %shift_left3A_118 : vector<16384xi32>
    %or3A_120 = arith.ori %or3A_112, %shift_left3A_119 : vector<16384xi32>
    %get3A_121 = arith.constant 16 : index
    %get3A_122 = arith.constant 0 : index
    %get3A_123 = vector.load %arg0[%get3A_121, %get3A_122] : memref<20x16384xi32, #tpu.memory_space<vmem>>, vector<1x16384xi32>
    %get3A_124 = vector.shape_cast %get3A_123 : vector<1x16384xi32> to vector<16384xi32>
    %shift_left3A_125 = arith.constant 16 : i32
    %shift_left3A_126 = vector.broadcast %shift_left3A_125 : i32 to vector<16384xi32>
    %shift_left3A_127 = arith.shli %get3A_124, %shift_left3A_126 : vector<16384xi32>
    %or3A_128 = arith.ori %or3A_120, %shift_left3A_127 : vector<16384xi32>
    %get3A_129 = arith.constant 17 : index
    %get3A_130 = arith.constant 0 : index
    %get3A_131 = vector.load %arg0[%get3A_129, %get3A_130] : memref<20x16384xi32, #tpu.memory_space<vmem>>, vector<1x16384xi32>
    %get3A_132 = vector.shape_cast %get3A_131 : vector<1x16384xi32> to vector<16384xi32>
    %shift_left3A_133 = arith.constant 17 : i32
    %shift_left3A_134 = vector.broadcast %shift_left3A_133 : i32 to vector<16384xi32>
    %shift_left3A_135 = arith.shli %get3A_132, %shift_left3A_134 : vector<16384xi32>
    %or3A_136 = arith.ori %or3A_128, %shift_left3A_135 : vector<16384xi32>
    %get3A_137 = arith.constant 18 : index
    %get3A_138 = arith.constant 0 : index
    %get3A_139 = vector.load %arg0[%get3A_137, %get3A_138] : memref<20x16384xi32, #tpu.memory_space<vmem>>, vector<1x16384xi32>
    %get3A_140 = vector.shape_cast %get3A_139 : vector<1x16384xi32> to vector<16384xi32>
    %shift_left3A_141 = arith.constant 18 : i32
    %shift_left3A_142 = vector.broadcast %shift_left3A_141 : i32 to vector<16384xi32>
    %shift_left3A_143 = arith.shli %get3A_140, %shift_left3A_142 : vector<16384xi32>
    %or3A_144 = arith.ori %or3A_136, %shift_left3A_143 : vector<16384xi32>
    %get3A_145 = arith.constant 19 : index
    %get3A_146 = arith.constant 0 : index
    %get3A_147 = vector.load %arg0[%get3A_145, %get3A_146] : memref<20x16384xi32, #tpu.memory_space<vmem>>, vector<1x16384xi32>
    %get3A_148 = vector.shape_cast %get3A_147 : vector<1x16384xi32> to vector<16384xi32>
    %shift_left3A_149 = arith.constant 19 : i32
    %shift_left3A_150 = vector.broadcast %shift_left3A_149 : i32 to vector<16384xi32>
    %shift_left3A_151 = arith.shli %get3A_148, %shift_left3A_150 : vector<16384xi32>
    %or3A_152 = arith.ori %or3A_144, %shift_left3A_151 : vector<16384xi32>
    %reshape3A = vector.shape_cast %or3A_152 : vector<16384xi32> to vector<128x128xi32>
    %swap3A = arith.constant 0 : index
    %swap3A_153 = arith.constant 0 : index
    %swap3A_154 = vector.load %arg1[%swap3A, %swap3A_153] : memref<128x128xi32, #tpu.memory_space<vmem>>, vector<128x128xi32>
    tpu.vector_store %arg1[%swap3A, %swap3A_153], %reshape3A {strides = array<i32>} : memref<128x128xi32, #tpu.memory_space<vmem>>, vector<128x128xi32>,
    return
  }
}

</mosaic_0001>

<sc_bundles>
// kernel: kernel.4.cloned.1.call-start
scs
__scs_entry_jumppad:
0x0: {  	(pc) =	sbr.rel $0x88, $3  }
0x1: {  	(tag) =	ssettag $0x0;
	lr =	simm.s32 $0x1  }
0x2: {  	[smem:$0x3F9F] =	sst lr;
	_ =	strace $0xD0000000  }
0x3: {  	_ = 	snop  }
0x4: {  	_ = 	snop  }
0x5: {  	_ = 	snop  }
0x6: {  	_ = 	snop  }
0x7: {  	_ = 	snop  }
__scs_overlays_trampoline_lowered:
0x8: {  	[smem:$0x3FAE] =	sst s0  }
0x9: {  	[smem:$0x3FAF] =	sst s1  }
0xa: {  	[smem:$0x3FB0] =	sst s2  }
0xb: {  	[smem:$0x3FB1] =	sst s3  }
0xc: {  	[smem:$0x3FB2] =	sst s4  }
0xd: {  	[smem:$0x3FB3] =	sst s5  }
0xe: {  	[smem:$0x3FB4] =	sst s6  }
0xf: {  	[smem:$0x3FB5] =	sst s7  }
0x10: {  	[smem:$0x3FB6] =	sst s8  }
0x11: {  	[smem:$0x3FB7] =	sst s9;
	s0 =	simm.s32 @!p0 $0x0  }
0x12: {  	s1 =	sld [smem:$0x3F9D];
	s0 =	simm.s32 @p0 $0x1  }
0x13: {  	[smem:$0x3FB8] =	sst s0;
	s0 =	simm.s32 @!p1 $0x0  }
0x14: {  	s2 =	sld [smem:$0x3F9C];
	s0 =	simm.s32 @p1 $0x1  }
0x15: {  	[smem:$0x3FB9] =	sst s0;
	s0 =	simm.s32 @!p2 $0x0  }
0x16: {  	s3 =	sld [smem:$0x3FDB];
	s0 =	simm.s32 @p2 $0x1  }
0x17: {  	s4 =	simm.s32 $0x1BF5;
	[smem:$0x3FBB] =	sst s0  }
0x18: {  	s0 =	sld [smem:$0x3F9E];
	_ =	swait.ge [sflag:s4], $0x0  }
0x19: {  	s7 =	sld [smem:$0x3F9F]  }
0x1a: {  	s8 =	sadd.s32 $0xFFFFE003, lr  }
0x1b: {  	s9 =	sadd.s32 $0xFFFFFEF7, lr;
	s5 =	simm.s32 $0xFFFFFFFF;
	p2 =	slt.u32 s8, $0xFFFFF086  }
0x1c: {  	p1 =	slt.u32 s9, $0xF7A;
	s5 =	simm.s32 @!p2 $0x0  }
0x1d: {  	s5 =	simm.s32 @p1 $0x1;
	p0 =	seq.s32 s7, s2  }
0x1e: {  	s7 =	smul.u32 @!p0 $0xF7A, s2;
	p2 =	seq.s32 @!p0 s5, $0x0  }
0x1f: {  	s9 =	smul.u32 $0xF7A, s1;
	s8 =	simm.s32 @!p0 $0x1BF5;
	p2 =	por !p2, p0  }
0x20: {  	[sflag:s8] =	ssyncset.s32 @!p0 $0xFFFFF086;
	s6 =	sadd.s32 @!p0 s3, s7;
	s7 =	simm.s32 @!p0 $0x108  }
0x21: {  	s3 =	sadd.s32 s3, s9;
	s6 =	sadd.s32 @!p0 $0x88, s6;
	s7 =	simm.s32 @p2 $0x1082  }
0x22: {  	[simem:s7], [sflag:s8] =	dma.local @!p0 [hbm:s6], $0xF7A  }
0x23: {  	s9 =	sor.u32 $0xD0000000, s2;
	s6 =	simm.s32 $0x108;
	_ =	swait.ge @!p0 [sflag:s8], $0x0  }
0x24: {  	s3 =	sadd.s32 $0x88, s3;
	s6 =	simm.s32 @!p1 $0x1082;
	[sflag:s4] =	ssyncset.s32 $0xFFFFF086  }
0x25: {  	[simem:s6], [sflag:s4] =	dma.local [hbm:s3], $0xF7A  }
0x26: {  	[smem:$0x3F9F] =	sst s1;
	(tag) =	ssettag s2;
	_ =	strace s9  }
0x27: {  	s1 =	sld [smem:$0x3FAF]  }
0x28: {  	s2 =	sld [smem:$0x3FB0]  }
0x29: {  	s4 =	sld [smem:$0x3FB2]  }
0x2a: {  	p0 =	seq.s32 s5, $0x0;
	s5 =	sld [smem:$0x3FB3]  }
0x2b: {  	s6 =	sld [smem:$0x3FB4]  }
0x2c: {  	s7 =	sld [smem:$0x3FB5]  }
0x2d: {  	s3 =	simm.s32 $0x108;
	s8 =	sld [smem:$0x3FB6]  }
0x2e: {  	s3 =	simm.s32 @!p0 $0x1082;
	s9 =	sld [smem:$0x3FB7]  }
0x2f: {  	lr =	sadd.s32 s0, s3;
	s0 =	sld [smem:$0x3FAE]  }
0x30: {  	s3 =	sld [smem:$0x3FB1]  }
0x31: {  	[smem:$0x3FBA] =	sst s10  }
0x32: {  	s10 =	sld [smem:$0x3FB8];
	_ =	sdelay $0x3  }
0x33: {  	p0 =	seq.s32 s10, $0x1;
	s10 =	sld [smem:$0x3FBA];
	_ =	sdelay $0x3  }
0x34: {  	[smem:$0x3FBA] =	sst s10  }
0x35: {  	s10 =	sld [smem:$0x3FB9];
	_ =	sdelay $0x3  }
0x36: {  	p1 =	seq.s32 s10, $0x1;
	s10 =	sld [smem:$0x3FBA];
	_ =	sdelay $0x3  }
0x37: {  	[smem:$0x3FBA] =	sst s10  }
0x38: {  	s10 =	sld [smem:$0x3FBB]  }
0x39: {  	_ = 	snop;
	(pc) =	sbr.ind lr, $3  }
0x3a: {  	_ = 	snop  }
0x3b: {  	_ = 	snop  }
0x3c: {  	p2 =	seq.s32 s10, $0x1;
	s10 =	sld [smem:$0x3FBA]  }
0x3d: {  	_ =	shalt  }
0x3e: {  	_ =	shalt  }
0x3f: {  	_ =	shalt  }
0x40: {  	_ =	shalt  }
0x41: {  	_ =	shalt  }
0x42: {  	_ =	shalt  }
0x43: {  	_ =	shalt  }
0x44: {  	_ =	shalt  }
0x45: {  	_ =	shalt  }
0x46: {  	_ =	shalt  }
0x47: {  	_ =	shalt  }
0x48: {  	_ =	shalt  }
0x49: {  	_ =	shalt  }
0x4a: {  	_ =	shalt  }
0x4b: {  	_ =	shalt  }
0x4c: {  	_ =	shalt  }
0x4d: {  	_ =	shalt  }
0x4e: {  	_ =	shalt  }
0x4f: {  	_ =	shalt  }
0x50: {  	_ =	shalt  }
0x51: {  	_ =	shalt  }
0x52: {  	_ =	shalt  }
0x53: {  	_ =	shalt  }
0x54: {  	_ =	shalt  }
0x55: {  	_ =	shalt  }
0x56: {  	_ =	shalt  }
0x57: {  	_ =	shalt  }
0x58: {  	_ =	shalt  }
0x59: {  	_ =	shalt  }
0x5a: {  	_ =	shalt  }
0x5b: {  	_ =	shalt  }
0x5c: {  	_ =	shalt  }
0x5d: {  	_ =	shalt  }
0x5e: {  	_ =	shalt  }
0x5f: {  	_ =	shalt  }
0x60: {  	_ =	shalt  }
0x61: {  	_ =	shalt  }
0x62: {  	_ =	shalt  }
0x63: {  	_ =	shalt  }
0x64: {  	_ =	shalt  }
0x65: {  	_ =	shalt  }
0x66: {  	_ =	shalt  }
0x67: {  	_ =	shalt  }
0x68: {  	_ =	shalt  }
0x69: {  	_ =	shalt  }
0x6a: {  	_ =	shalt  }
0x6b: {  	_ =	shalt  }
0x6c: {  	_ =	shalt  }
0x6d: {  	_ =	shalt  }
0x6e: {  	_ =	shalt  }
0x6f: {  	_ =	shalt  }
0x70: {  	_ =	shalt  }
0x71: {  	_ =	shalt  }
0x72: {  	_ =	shalt  }
0x73: {  	_ =	shalt  }
0x74: {  	_ =	shalt  }
0x75: {  	_ =	shalt  }
0x76: {  	_ =	shalt  }
0x77: {  	_ =	shalt  }
0x78: {  	_ =	shalt  }
0x79: {  	_ =	shalt  }
0x7a: {  	_ =	shalt  }
0x7b: {  	_ =	shalt  }
0x7c: {  	_ =	shalt  }
0x7d: {  	_ =	shalt  }
0x7e: {  	_ =	shalt  }
0x7f: {  	_ =	shalt  }
0x80: {  	_ =	shalt  }
0x81: {  	_ =	shalt  }
0x82: {  	_ =	shalt  }
0x83: {  	_ =	shalt  }
0x84: {  	_ =	shalt  }
0x85: {  	_ =	shalt  }
0x86: {  	_ =	shalt  }
0x87: {  	_ =	shalt  }
.Lfunc_end0:
.L_simem_size_0:
called_computation_lowered:
.L_overlay_start_0:
0x88: {  	s0 =	sld [smem:$0x3FD9]  }
0x89: {  	s1 =	sld [smem:$0x3FFE];
	_ =	sdelay $0x3  }
0x8a: {  	s0 =	sadd.s32 s1, s0  }
0x8b: {  	[smem:$0x3FC6] =	sst s0  }
0x8c: {  	_ = 	snop  }
0x8d: {  	s0 =	sld [smem:$0x3FC8];
	(tm) =	ssettm $0x1  }
0x8e: {  	s16 =	sld [smem:$0x3FFB];
	_ =	sdelay $0x3  }
0x8f: {  	_ =	strace s16  }
0x90: {  	s1 =	sld [smem:$0x3FFC];
	_ =	sdelay $0x3  }
0x91: {  	_ =	strace s1  }
0x92: {  	s1 =	sld [smem:$0x3FFD];
	_ =	sdelay $0x3  }
0x93: {  	_ =	strace s1  }
0x94: {  	_ =	strace $0x8FFFFFFF  }
0x95: {  	s17 =	sld [smem:$0x3FDB];
	_ =	sdelay $0x1  }
0x96: {  	s2 =	simm.s32 $_scs_section_size  }
0x97: {  	s3 =	simm.s32 $_size__tile_overlayer_lowered;
	s4 =	simm.s32 $_tile_overlayer_lowered  }
0x98: {  	s20 =	simm.s32 $0x1BFF;
	s19 =	sshll.u32 s4, $0x1;
	s1 =	sadd.s32 s2, s17  }
0x99: {  	s5 =	simm.s32 $0x0;
	s18 =	sshll.u32 s3, $0x1;
	s3 =	sadd.s32 s19, s1  }
0x9a: {  	[timem:s5], [sflag:s20] =	dma.local [hbm:s3], s18  }
0x9b: {  	_ =	swait.ge [sflag:s20], s18  }
0x9c: {  	s2 =	ssub.s32 $0x0, s18;
	[sflag:s20] =	ssyncset.done $0x0  }
0x9d: {  	[sflag:s20] =	ssyncadd.s32 s2;
	_ =	sdelay $0x1  }
0x9e: {  	s21 =	simm.s32 $0x1B8B  }
0x9f: {  	_ =	swait.ge [sflag:s21], $0x1  }
0xa0: {  	[sflag:s21] =	ssyncset.done $0x0  }
0xa1: {  	s23 =	simm.s32 $0x1B8E;
	s22 =	sld [smem:$0x3FFE];
	[sflag:s21] =	ssyncadd.s32 $0xFFFFFFFF  }
0xa2: {  	s24 =	simm.s32 $execute0_lowered;
	[smem:$0x3FD2] =	sst s23  }
0xa3: {  	s3 =	sshll.u32 s24, $0x1;
	_ =	strace $0x80000046;
	[dreg:$0x1] =	wrdreg $0xFFFFFFFF  }
0xa4: {  	s25 =	simm.s32 $_size_execute0_lowered;
	s1 =	sadd.s32 s1, s3;
	[dreg:$0x0] =	wrdreg $0x0  }
0xa5: {  	s3 =	sshll.u32 s25, $0x1;
	[dreg:$0x2] =	wrdreg s1  }
0xa6: {  	[dreg:$0x3] =	wrdreg s3  }
0xa7: {  	[dreg:$0x4] =	wrdreg $0xC0  }
0xa8: {  	_ =	task [dreg:s5], $0x5FFFF  }
0xa9: {  	[dreg:$0x1] =	wrdreg $0xFFFFFFFF  }
0xaa: {  	[dreg:$0x0] =	wrdreg $0x60  }
0xab: {  	[dreg:$0x2] =	wrdreg s22  }
0xac: {  	[dreg:$0x3] =	wrdreg s0  }
0xad: {  	[dreg:$0x4] =	wrdreg $0x9  }
0xae: {  	_ =	task.clear_ibuf [dreg:s5], $0x5FFFF;
	_ =	strace $0x90000046  }
0xaf: {  	s26 =	simm.s32 $0x9;
	_ =	strace $0x80000048  }
0xb0: {  	_ =	swait.ge [sflag:s26], $0x1  }
0xb1: {  	[sflag:s26] =	ssyncadd.s32 $0xFFFFFFFF  }
0xb2: {  	_ =	strace $0x90000048  }
0xb3: {  	_ =	sfence  }
0xb4: {  	s28 =	sld [smem:$0x0];
	_ =	sdelay $0x1  }
0xb5: {  	s29 =	srdreg.scid  }
0xb6: {  	s30 =	sshll.u32 s29, $0xD;
	s31 =	sshrl.u32 s29, $0x2  }
0xb7: {  	s2 =	sand.u32 $0x4000, s30;
	s1 =	sand.u32 $0x1, s29;
	s0 =	sadd.s32 s31, s28  }
0xb8: {  	s1 =	sor.u32 s2, s1;
	s0 =	sshll.u32 s0, $0x11  }
0xb9: {  	s0 =	sor.u32 s0, s1  }
0xba: {  	s0 =	sadd.s32 $0x8F2B, s0  }
0xbb: {  	[sflag:s0] =	ssyncadd.remote.s32 $0x1  }
0xbc: {  	_ =	sfence.sel $0xFFFF  }
0xbd: {  	[dreg:$0x0] =	wrdreg $0xFFFFFFFF;
	(pc) =	sbr.abs _section_cstart, $3  }
0xbe: {  	[dreg:$0x1] =	wrdreg $0xFFFFFFFF  }
0xbf: {  	_ =	task.clear_ibuf [dreg:s5], $0x2FFFF;
	_ =	strace $0x9FFFFFFF  }
0xc0: {  	(tm) =	ssettm $0x7FFFFFFF  }
0xc1: {  	_ =	shalt  }
tec
execute0_lowered:
.L_overlay_start_1:
0x0: {  	(tag) =	ssettag $0x1  }
0x1: {  	s2 =	rddreg [dreg:$0x0]  }
0x2: {  	s3 =	rddreg [dreg:$0x1];
	s1 =	stileid.u32  }
0x3: {  	s0 =	rddreg [dreg:$0x2];
	s4 =	simm.s32 $0x0;
	s5 =	sshll.u32 s1, $0x7  }
0x4: {  	[smem:$0x7FF] =	sst s4;
	s2 =	sadd.s32 s5, s2  }
0x5: {  	s18 =	simm.s32 $0x2;
	_ =	strace $0x80000047;
	s5 =	sadd.s32 $0x800, s2  }
0x6: {  	[tilespmem:s4], [sflag:$0x2] =	stream.linear.gather [hbm4b:s5+s4], $0x400, $0x38;
	[tilespmem:$0x800] =	vst v63  }
0x7: {  	_ =	swait.ge [sflag:s18], $0x400  }
0x8: {  	[sflag:s18] =	ssyncset.done $0x0  }
0x9: {  	s6 =	simm.s32 $0x80;
	s7 =	simm.s32 $0x400;
	[sflag:s18] =	ssyncadd.s32 $0xFFFFFC00  }
0xa: {  	[tilespmem:s7], [sflag:$0x1] =	stream.indirect.gather [hbm4b:s3+s6], $0x1, s4, s6, $0xb8;
	[tilespmem:$0x800] =	vst v63  }
0xb: {  	s8 =	simm.s32 $0x480  }
0xc: {  	[tilespmem:s8], [sflag:$0x1] =	stream.indirect.gather [hbm4b:s3+s6], $0x1, s6, s6, $0xb8;
	[tilespmem:$0x800] =	vst v63  }
0xd: {  	s19 =	simm.s32 $0x100;
	s9 =	simm.s32 $0x500  }
0xe: {  	[tilespmem:s9], [sflag:$0x1] =	stream.indirect.gather [hbm4b:s3+s6], $0x1, s19, s6, $0xb8;
	[tilespmem:$0x800] =	vst v63  }
0xf: {  	s20 =	simm.s32 $0x180;
	s21 =	simm.s32 $0x580  }
0x10: {  	[tilespmem:s21], [sflag:$0x1] =	stream.indirect.gather [hbm4b:s3+s6], $0x1, s20, s6, $0xb8;
	[tilespmem:$0x800] =	vst v63  }
0x11: {  	s22 =	simm.s32 $0x200;
	s23 =	simm.s32 $0x600  }
0x12: {  	[tilespmem:s23], [sflag:$0x1] =	stream.indirect.gather [hbm4b:s3+s6], $0x1, s22, s6, $0xb8;
	[tilespmem:$0x800] =	vst v63  }
0x13: {  	s24 =	simm.s32 $0x280;
	s25 =	simm.s32 $0x680  }
0x14: {  	[tilespmem:s25], [sflag:$0x1] =	stream.indirect.gather [hbm4b:s3+s6], $0x1, s24, s6, $0xb8;
	[tilespmem:$0x800] =	vst v63  }
0x15: {  	s26 =	simm.s32 $0x300;
	s28 =	simm.s32 $0x700  }
0x16: {  	[tilespmem:s28], [sflag:$0x1] =	stream.indirect.gather [hbm4b:s3+s6], $0x1, s26, s6, $0xb8;
	[tilespmem:$0x800] =	vst v63  }
0x17: {  	s29 =	simm.s32 $0x380;
	s30 =	simm.s32 $0x780;
	s31 =	simm.s32 $0x1  }
0x18: {  	[tilespmem:s30], [sflag:$0x1] =	stream.indirect.gather [hbm4b:s3+s6], $0x1, s29, s6, $0xb8;
	[tilespmem:$0x800] =	vst v63  }
0x19: {  	_ =	swait.ge [sflag:s31], $0x80  }
0x1a: {  	[sflag:s31] =	ssyncset.done $0x0  }
0x1b: {  	[sflag:s31] =	ssyncadd.s32 $0xFFFFFF80  }
0x1c: {  	_ =	swait.ge [sflag:s31], $0x80  }
0x1d: {  	[sflag:s31] =	ssyncset.done $0x0  }
0x1e: {  	[sflag:s31] =	ssyncadd.s32 $0xFFFFFF80  }
0x1f: {  	_ =	swait.ge [sflag:s31], $0x80  }
0x20: {  	[sflag:s31] =	ssyncset.done $0x0  }
0x21: {  	[sflag:s31] =	ssyncadd.s32 $0xFFFFFF80  }
0x22: {  	_ =	swait.ge [sflag:s31], $0x80  }
0x23: {  	[sflag:s31] =	ssyncset.done $0x0  }
0x24: {  	[sflag:s31] =	ssyncadd.s32 $0xFFFFFF80  }
0x25: {  	_ =	swait.ge [sflag:s31], $0x80  }
0x26: {  	[sflag:s31] =	ssyncset.done $0x0  }
0x27: {  	[sflag:s31] =	ssyncadd.s32 $0xFFFFFF80  }
0x28: {  	_ =	swait.ge [sflag:s31], $0x80  }
0x29: {  	[sflag:s31] =	ssyncset.done $0x0  }
0x2a: {  	[sflag:s31] =	ssyncadd.s32 $0xFFFFFF80  }
0x2b: {  	_ =	swait.ge [sflag:s31], $0x80  }
0x2c: {  	[sflag:s31] =	ssyncset.done $0x0  }
0x2d: {  	[sflag:s31] =	ssyncadd.s32 $0xFFFFFF80  }
0x2e: {  	_ =	swait.ge [sflag:s31], $0x80  }
0x2f: {  	[sflag:s31] =	ssyncset.done $0x0  }
0x30: {  	s2 =	sadd.s32 $0x1000, s2;
	[sflag:s31] =	ssyncadd.s32 $0xFFFFFF80  }
0x31: {  	[hbm4b:s2+s4] =	stream.linear.scatter [tilespmem:s7], [sflag:$0x2], $0x400, $0x38;
	[tilespmem:$0x800] =	vst v63  }
0x32: {  	_ =	swait.ge [sflag:s18], $0x400  }
0x33: {  	[sflag:s18] =	ssyncset.done $0x0  }
0x34: {  	[sflag:s18] =	ssyncadd.s32 $0xFFFFFC00  }
0x35: {  	_ =	sfence.sel $0x180000  }
0x36: {  	[bflag:$0x0] =	sbarrier.arrive $0xFFFF  }
0x37: {  	p0 =	sne.s32 s1, $0x0;
	_ =	strace $0x90000047  }
0x38: {  	s0 =	sadd.s32 @!p0 $0x100000, s0;
	[bflag:$0x2] =	sbarrier.arrive $0xFFFF  }
0x39: {  	[sflag:s0] =	ssyncadd.tile.s32 @!p0 $0x1;
	_ =	shalt  }
.Lfunc_end2:
_tile_overlayer_lowered:
.L_overlay_start_2:
0x3a: {  	(tag) =	ssettag $0x2  }
0x3b: {  	s0 =	rddreg [dreg:$0x0];
	s2 =	stileid.u32  }
0x3c: {  	s1 =	rddreg [dreg:$0x1];
	p0 =	sne.s32 s2, $0x0  }
0x3d: {  	s3 =	rddreg [dreg:$0x2];
	[bflag:$0x3] =	sbarrier.arrive $0xFFFF;
	s2 =	simm.s32 @!p0 $0x1C02  }
0x3e: {  	[timem:s3], [sflag:s2] =	dma.local @!p0 [hbm:s0], s1  }
0x3f: {  	s0 =	simm.s32 @!p0 $0x2  }
0x40: {  	_ =	swait.ge @!p0 [sflag:s0], s1  }
0x41: {  	s1 =	ssub.s32 @!p0 $0x0, s1;
	[sflag:s0] =	ssyncset.done @!p0 $0x0  }
0x42: {  	[sflag:s0] =	ssyncadd.s32 @!p0 s1  }
0x43: {  	[bflag:$0x3] =	sbarrier.arrive $0xFFFF  }
0x44: {  	_ =	shalt  }

</sc_bundles>
